<compile_context>
chip_gen: v7x
topology: tpu7x:2x2x1
jax: 0.10.2.dev20260603
libtpu: 0.0.44.dev20260713+nightly
codegen_flags: <defaults>
</compile_context>

<pallas_src>
import functools

import jax
import jax.numpy as jnp
from jax import lax
from jax.experimental import pallas as pl
from jax.experimental.pallas import tpu as pltpu
from jax.experimental.pallas import tpu_sc as plsc

N = 160000
IN_DIM = 16
OUT_DIM = 16
NUM_TRANSFORMS = 100
NUM_BASES = 8
PAD_B = 16
ROWS = 8000
PACK = 8

_NC = 2
_NS = 16
_NW = _NC * _NS
_BPW = N // _NW
_GROUPS = (_BPW + 15) // 16
_FLAT = _BPW * PAD_B



_sc_mesh = plsc.VectorSubcoreMesh(core_axis_name="c", subcore_axis_name="s")


@functools.partial(
    pl.kernel,
    mesh=_sc_mesh,
    compiler_params=pltpu.CompilerParams(use_tc_tiling_on_sc=False,
                                         needs_layout_passes=False),
    out_type=jax.ShapeDtypeStruct((N * PAD_B,), jnp.float32),
    scratch_types=[
        pltpu.VMEM((_GROUPS * 16,), jnp.int32),
        pltpu.VMEM((NUM_TRANSFORMS * NUM_BASES,), jnp.float32),
        pltpu.VMEM((_GROUPS * 16 * PAD_B,), jnp.float32),
        pltpu.SemaphoreType.DMA,
    ],
)
def _sc_gather(table_hbm, idx_hbm, out_hbm, idx_v, table_v, rows_v, sem):
    wid = lax.axis_index("s") * _NC + lax.axis_index("c")
    base = wid * _BPW
    pltpu.sync_copy(table_hbm, table_v)
    pltpu.sync_copy(idx_hbm.at[pl.ds(base, _BPW)], idx_v.at[pl.ds(0, _BPW)])
    lanes = lax.iota(jnp.int32, 16)
    maxid = jnp.full((16,), NUM_TRANSFORMS - 1, jnp.int32)

    def body(g, carry):
        rows = g * 16 + lanes
        rowidx = jnp.clip(idx_v[pl.ds(g * 16, 16)], 0, maxid)
        tbase = rowidx * NUM_BASES
        obase = rows * PAD_B
        for j in range(NUM_BASES):
            vals = plsc.load_gather(table_v, [tbase + j])
            plsc.store_scatter(rows_v, [obase + j], vals)
        return carry

    lax.fori_loop(0, _GROUPS, body, 0)
    pltpu.sync_copy(rows_v.at[pl.ds(0, _FLAT)],
                    out_hbm.at[pl.ds(wid * _FLAT, _FLAT)])



def _tc_body(x_ref, c_ref, m_ref, el_ref, o_ref):
    rb = ROWS // PACK
    xb = x_ref[...].astype(jnp.bfloat16)
    col = lax.broadcasted_iota(jnp.int32, (rb, 128), 1)
    keep = (col % PAD_B) < NUM_BASES
    cb = jnp.where(keep, c_ref[...], 0.0).astype(jnp.bfloat16)
    acc = None
    for b in range(NUM_BASES):
        zb = jnp.dot(xb, m_ref[b], preferred_element_type=jnp.float32)
        ceb = jnp.dot(cb, el_ref[b], preferred_element_type=jnp.float32)
        term = zb * ceb
        acc = term if acc is None else acc + term
    o_ref[...] = acc


@jax.jit
def _run(x2, xtype, m, el, table):
    cflat = _sc_gather(table, xtype)
    c2 = cflat.reshape(N // PACK, 128)
    grid = N // ROWS
    rb = ROWS // PACK
    out2 = pl.pallas_call(
        _tc_body,
        grid=(grid,),
        in_specs=[
            pl.BlockSpec((rb, 128), lambda i: (i, 0)),
            pl.BlockSpec((rb, 128), lambda i: (i, 0)),
            pl.BlockSpec((NUM_BASES, 128, 128), lambda i: (0, 0, 0)),
            pl.BlockSpec((NUM_BASES, 128, 128), lambda i: (0, 0, 0)),
        ],
        out_specs=pl.BlockSpec((rb, 128), lambda i: (i, 0)),
        out_shape=jax.ShapeDtypeStruct((N // PACK, 128), jnp.float32),
    )(x2, c2, m, el)
    return out2


def kernel(x, xtype, weight, w_comp):
    basis = weight.reshape(NUM_BASES, IN_DIM, OUT_DIM)
    eye8 = jnp.eye(PACK, dtype=jnp.float32)
    m = jnp.einsum("rs,bko->brkso", eye8, basis).reshape(
        NUM_BASES, 128, 128).astype(jnp.bfloat16)
    sel = jnp.zeros((NUM_BASES, PAD_B, OUT_DIM), jnp.float32)
    sel = sel.at[jnp.arange(NUM_BASES), jnp.arange(NUM_BASES), :].set(1.0)
    el = jnp.einsum("rs,bco->brcso", eye8, sel).reshape(
        NUM_BASES, 128, 128).astype(jnp.bfloat16)
    table = w_comp.reshape(-1)
    x2 = x.reshape(N // PACK, 128)
    out2 = _run(x2, xtype.astype(jnp.int32), m, el, table)
    return out2.reshape(N, OUT_DIM)

# --- scband reference (transcript-rebuilt; emitter-appended) ---
"""Pipeline reference for scband-decomp-multi-transform-1958505087671 (READ-ONLY COPY).

The authoritative reference and input builder live on the scoring server;
editing this copy changes nothing except your own understanding.
"""

import jax, jax.numpy as jnp
import numpy as np

N = 160000
IN_DIM = 16
OUT_DIM = 16
NUM_TRANSFORMS = 100
NUM_BASES = 8


def setup_inputs(seed: int = 0) -> dict:
    key = jax.random.key(seed)
    k1, k2, k3, k4 = jax.random.split(key, 4)
    x = jax.random.normal(k1, (N, IN_DIM), dtype=jnp.float32)
    xtype = jax.random.randint(k2, (N,), 0, NUM_TRANSFORMS)
    # learned params per init_kwargs (regularizer='basis'):
    #   weight: [num_bases, input_dim * output_dim]
    #   w_comp: [num_transforms, num_bases]
    weight = jax.random.normal(k3, (NUM_BASES, IN_DIM * OUT_DIM), dtype=jnp.float32) * 0.1
    w_comp = jax.random.normal(k4, (NUM_TRANSFORMS, NUM_BASES), dtype=jnp.float32) * 0.1
    return {"x": x, "xtype": xtype, "weight": weight, "w_comp": w_comp}


def reference(x, xtype, weight, w_comp):
    # regularizer == 'basis' and x.shape[0] (160000) >= num_transforms (100):
    # compose full per-type weights, then gather per element and bmm.
    x_size = x.shape
    xv = x.reshape(-1, 1, IN_DIM)
    full_weight = jnp.matmul(w_comp, weight)  # [num_transforms, in*out]
    # xtype is integer dtype -> index_select path
    w = jnp.take(full_weight, xtype.reshape(-1), axis=0)  # [N, in*out] gather
    w = w.reshape(-1, IN_DIM, OUT_DIM)
    out = jnp.matmul(xv, w)  # batched [N,1,in] @ [N,in,out] -> [N,1,out]
    out = out.reshape(x_size[:-1] + (-1,))
    # bias=False -> no bias add
    return out

if __name__ == "__main__":
    import jax
    _d = setup_inputs()
    print(jax.jit(kernel)(*tuple(_d.values())))

</pallas_src>

<mosaic_0001>
#map = affine_map<(d0, d1) -> (0)>
module attributes {stable_mosaic.version = 14 : i64} {
  func.func @_sc_gather(%arg0: i32, %arg1: i32, %arg2: memref<800xf32, #tpu.memory_space<hbm>>, %arg3: memref<160000xi32, #tpu.memory_space<hbm>>, %arg4: memref<2560000xf32, #tpu.memory_space<hbm>>, %arg5: memref<5008xi32, #tpu.memory_space<vmem>>, %arg6: memref<800xf32, #tpu.memory_space<vmem>>, %arg7: memref<80128xf32, #tpu.memory_space<vmem>>, %arg8: memref<!tpu.dma_semaphore, #tpu.memory_space<semaphore_mem>>) attributes {dimension_semantics = [#tpu.dimension_semantics<core_parallel>, #tpu.dimension_semantics<subcore_parallel>], iteration_bounds = array<i64: 2, 16>, scalar_prefetch = 0 : i64, scratch_operands = 4 : i64, tpu.core_type = #tpu.core_type<sc_vector_subcore>, window_params = [{transform_indices = #map}, {transform_indices = #map}, {transform_indices = #map}]} {
    %mul3A = arith.constant 2 : i32
    %mul3A_0 = arith.muli %arg1, %mul3A : i32
    %add3A = arith.addi %mul3A_0, %arg0 : i32
    %mul3A_1 = arith.constant 5000 : i32
    %mul3A_2 = arith.muli %add3A, %mul3A_1 : i32
    "tpu.region"() ({
      %run_scoped3A = tpu.sem_alloc : memref<!tpu.dma_semaphore, #tpu.memory_space<semaphore_mem>>
      tpu.enqueue_dma source(%arg2 : memref<800xf32, #tpu.memory_space<hbm>>) target(%arg6 : memref<800xf32, #tpu.memory_space<vmem>>) target_semaphore(%run_scoped3A : memref<!tpu.dma_semaphore, #tpu.memory_space<semaphore_mem>>)
      tpu.wait_dma2 semaphore(%run_scoped3A : memref<!tpu.dma_semaphore, #tpu.memory_space<semaphore_mem>>) src(%arg2 : memref<800xf32, #tpu.memory_space<hbm>>) dst(%arg6 : memref<800xf32, #tpu.memory_space<vmem>>)
      tpu.yield
    }) : () -> ()
    "tpu.region"() ({
      %run_scoped3A = tpu.sem_alloc : memref<!tpu.dma_semaphore, #tpu.memory_space<semaphore_mem>>
      %dma_start3A = arith.constant 0 : i32
      %dma_start3A_11 = tpu.memref_slice %arg5[%dma_start3A] : memref<5008xi32, #tpu.memory_space<vmem>> -> memref<5000xi32, #tpu.memory_space<vmem>>
      %dma_start3A_12 = tpu.memref_slice %arg3[%mul3A_2] : memref<160000xi32, #tpu.memory_space<hbm>> -> memref<5000xi32, #tpu.memory_space<hbm>>
      %dma_start3A_13 = arith.constant 0 : i32
      %dma_start3A_14 = tpu.memref_slice %arg5[%dma_start3A_13] : memref<5008xi32, #tpu.memory_space<vmem>> -> memref<5000xi32, #tpu.memory_space<vmem>>
      %dma_start3A_15 = tpu.memref_slice %arg3[%mul3A_2] : memref<160000xi32, #tpu.memory_space<hbm>> -> memref<5000xi32, #tpu.memory_space<hbm>>
      tpu.enqueue_dma source(%dma_start3A_15 : memref<5000xi32, #tpu.memory_space<hbm>>) target(%dma_start3A_14 : memref<5000xi32, #tpu.memory_space<vmem>>) target_semaphore(%run_scoped3A : memref<!tpu.dma_semaphore, #tpu.memory_space<semaphore_mem>>)
      %dma_wait3A = arith.constant 0 : i32
      %dma_wait3A_16 = tpu.memref_slice %arg5[%dma_wait3A] : memref<5008xi32, #tpu.memory_space<vmem>> -> memref<5000xi32, #tpu.memory_space<vmem>>
      %dma_wait3A_17 = tpu.memref_slice %arg3[%mul3A_2] : memref<160000xi32, #tpu.memory_space<hbm>> -> memref<5000xi32, #tpu.memory_space<hbm>>
      %dma_wait3A_18 = arith.constant 0 : i32
      %dma_wait3A_19 = tpu.memref_slice %arg5[%dma_wait3A_18] : memref<5008xi32, #tpu.memory_space<vmem>> -> memref<5000xi32, #tpu.memory_space<vmem>>
      %dma_wait3A_20 = tpu.memref_slice %arg3[%mul3A_2] : memref<160000xi32, #tpu.memory_space<hbm>> -> memref<5000xi32, #tpu.memory_space<hbm>>
      tpu.wait_dma2 semaphore(%run_scoped3A : memref<!tpu.dma_semaphore, #tpu.memory_space<semaphore_mem>>) src(%dma_wait3A_20 : memref<5000xi32, #tpu.memory_space<hbm>>) dst(%dma_wait3A_19 : memref<5000xi32, #tpu.memory_space<vmem>>)
      tpu.yield
    }) : () -> ()
    %iota3A = tpu.iota {dimensions = array<i32: 0>} : vector<16xi32>
    %broadcast_in_dim3A = arith.constant 99 : i32
    %broadcast_in_dim3A_3 = vector.broadcast %broadcast_in_dim3A : i32 to vector<16xi32>
    %scan3A = arith.constant 0 : i32
    %scan3A_4 = arith.constant 0 : i32
    %scan3A_5 = arith.constant 313 : i32
    %scan3A_6 = arith.addi %scan3A_4, %scan3A_5 : i32
    %scan3A_7 = arith.constant 1 : i32
    scf.for %scan3A_11 = %scan3A_4 to %scan3A_6 step %scan3A_7  : i32 {
      %mul3A_12 = arith.constant 16 : i32
      %mul3A_13 = arith.muli %scan3A_11, %mul3A_12 : i32
      %add3A_14 = vector.broadcast %mul3A_13 : i32 to vector<16xi32>
      %add3A_15 = arith.addi %add3A_14, %iota3A : vector<16xi32>
      %mul3A_16 = arith.constant 16 : i32
      %mul3A_17 = arith.muli %scan3A_11, %mul3A_16 : i32
      %get3A = arith.index_cast %mul3A_17 : i32 to index
      %get3A_18 = tpu.vector_load %arg5[%get3A] {strides = array<i32>} : memref<5008xi32, #tpu.memory_space<vmem>>, vector<16xi32>,
      %jit3A = arith.constant 0 : i32
      %max3A = vector.broadcast %jit3A : i32 to vector<16xi32>
      %max3A_19 = arith.maxsi %max3A, %get3A_18 : vector<16xi32>
      %min3A = arith.minsi %broadcast_in_dim3A_3, %max3A_19 : vector<16xi32>
      %mul3A_20 = arith.constant 8 : i32
      %mul3A_21 = vector.broadcast %mul3A_20 : i32 to vector<16xi32>
      %mul3A_22 = arith.muli %min3A, %mul3A_21 : vector<16xi32>
      %mul3A_23 = arith.constant 16 : i32
      %mul3A_24 = vector.broadcast %mul3A_23 : i32 to vector<16xi32>
      %mul3A_25 = arith.muli %add3A_15, %mul3A_24 : vector<16xi32>
      %add3A_26 = arith.constant 0 : i32
      %add3A_27 = vector.broadcast %add3A_26 : i32 to vector<16xi32>
      %add3A_28 = arith.addi %mul3A_22, %add3A_27 : vector<16xi32>
      %gather3A = tpu.vector_load_idx %arg6[%add3A_28] : memref<800xf32, #tpu.memory_space<vmem>>[vector<16xi32>], vector<16xf32>,
      %add3A_29 = arith.constant 0 : i32
      %add3A_30 = vector.broadcast %add3A_29 : i32 to vector<16xi32>
      %add3A_31 = arith.addi %mul3A_25, %add3A_30 : vector<16xi32>
      tpu.vector_store_idx %arg7[%add3A_31], %gather3A : memref<80128xf32, #tpu.memory_space<vmem>>[vector<16xi32>], vector<16xf32>,
      %add3A_32 = arith.constant 1 : i32
      %add3A_33 = vector.broadcast %add3A_32 : i32 to vector<16xi32>
      %add3A_34 = arith.addi %mul3A_22, %add3A_33 : vector<16xi32>
      %gather3A_35 = tpu.vector_load_idx %arg6[%add3A_34] : memref<800xf32, #tpu.memory_space<vmem>>[vector<16xi32>], vector<16xf32>,
      %add3A_36 = arith.constant 1 : i32
      %add3A_37 = vector.broadcast %add3A_36 : i32 to vector<16xi32>
      %add3A_38 = arith.addi %mul3A_25, %add3A_37 : vector<16xi32>
      tpu.vector_store_idx %arg7[%add3A_38], %gather3A_35 : memref<80128xf32, #tpu.memory_space<vmem>>[vector<16xi32>], vector<16xf32>,
      %add3A_39 = arith.constant 2 : i32
      %add3A_40 = vector.broadcast %add3A_39 : i32 to vector<16xi32>
      %add3A_41 = arith.addi %mul3A_22, %add3A_40 : vector<16xi32>
      %gather3A_42 = tpu.vector_load_idx %arg6[%add3A_41] : memref<800xf32, #tpu.memory_space<vmem>>[vector<16xi32>], vector<16xf32>,
      %add3A_43 = arith.constant 2 : i32
      %add3A_44 = vector.broadcast %add3A_43 : i32 to vector<16xi32>
      %add3A_45 = arith.addi %mul3A_25, %add3A_44 : vector<16xi32>
      tpu.vector_store_idx %arg7[%add3A_45], %gather3A_42 : memref<80128xf32, #tpu.memory_space<vmem>>[vector<16xi32>], vector<16xf32>,
      %add3A_46 = arith.constant 3 : i32
      %add3A_47 = vector.broadcast %add3A_46 : i32 to vector<16xi32>
      %add3A_48 = arith.addi %mul3A_22, %add3A_47 : vector<16xi32>
      %gather3A_49 = tpu.vector_load_idx %arg6[%add3A_48] : memref<800xf32, #tpu.memory_space<vmem>>[vector<16xi32>], vector<16xf32>,
      %add3A_50 = arith.constant 3 : i32
      %add3A_51 = vector.broadcast %add3A_50 : i32 to vector<16xi32>
      %add3A_52 = arith.addi %mul3A_25, %add3A_51 : vector<16xi32>
      tpu.vector_store_idx %arg7[%add3A_52], %gather3A_49 : memref<80128xf32, #tpu.memory_space<vmem>>[vector<16xi32>], vector<16xf32>,
      %add3A_53 = arith.constant 4 : i32
      %add3A_54 = vector.broadcast %add3A_53 : i32 to vector<16xi32>
      %add3A_55 = arith.addi %mul3A_22, %add3A_54 : vector<16xi32>
      %gather3A_56 = tpu.vector_load_idx %arg6[%add3A_55] : memref<800xf32, #tpu.memory_space<vmem>>[vector<16xi32>], vector<16xf32>,
      %add3A_57 = arith.constant 4 : i32
      %add3A_58 = vector.broadcast %add3A_57 : i32 to vector<16xi32>
      %add3A_59 = arith.addi %mul3A_25, %add3A_58 : vector<16xi32>
      tpu.vector_store_idx %arg7[%add3A_59], %gather3A_56 : memref<80128xf32, #tpu.memory_space<vmem>>[vector<16xi32>], vector<16xf32>,
      %add3A_60 = arith.constant 5 : i32
      %add3A_61 = vector.broadcast %add3A_60 : i32 to vector<16xi32>
      %add3A_62 = arith.addi %mul3A_22, %add3A_61 : vector<16xi32>
      %gather3A_63 = tpu.vector_load_idx %arg6[%add3A_62] : memref<800xf32, #tpu.memory_space<vmem>>[vector<16xi32>], vector<16xf32>,
      %add3A_64 = arith.constant 5 : i32
      %add3A_65 = vector.broadcast %add3A_64 : i32 to vector<16xi32>
      %add3A_66 = arith.addi %mul3A_25, %add3A_65 : vector<16xi32>
      tpu.vector_store_idx %arg7[%add3A_66], %gather3A_63 : memref<80128xf32, #tpu.memory_space<vmem>>[vector<16xi32>], vector<16xf32>,
      %add3A_67 = arith.constant 6 : i32
      %add3A_68 = vector.broadcast %add3A_67 : i32 to vector<16xi32>
      %add3A_69 = arith.addi %mul3A_22, %add3A_68 : vector<16xi32>
      %gather3A_70 = tpu.vector_load_idx %arg6[%add3A_69] : memref<800xf32, #tpu.memory_space<vmem>>[vector<16xi32>], vector<16xf32>,
      %add3A_71 = arith.constant 6 : i32
      %add3A_72 = vector.broadcast %add3A_71 : i32 to vector<16xi32>
      %add3A_73 = arith.addi %mul3A_25, %add3A_72 : vector<16xi32>
      tpu.vector_store_idx %arg7[%add3A_73], %gather3A_70 : memref<80128xf32, #tpu.memory_space<vmem>>[vector<16xi32>], vector<16xf32>,
      %add3A_74 = arith.constant 7 : i32
      %add3A_75 = vector.broadcast %add3A_74 : i32 to vector<16xi32>
      %add3A_76 = arith.addi %mul3A_22, %add3A_75 : vector<16xi32>
      %gather3A_77 = tpu.vector_load_idx %arg6[%add3A_76] : memref<800xf32, #tpu.memory_space<vmem>>[vector<16xi32>], vector<16xf32>,
      %add3A_78 = arith.constant 7 : i32
      %add3A_79 = vector.broadcast %add3A_78 : i32 to vector<16xi32>
      %add3A_80 = arith.addi %mul3A_25, %add3A_79 : vector<16xi32>
      tpu.vector_store_idx %arg7[%add3A_80], %gather3A_77 : memref<80128xf32, #tpu.memory_space<vmem>>[vector<16xi32>], vector<16xf32>,
    }
    %scan3A_8 = arith.constant 313 : i32
    %mul3A_9 = arith.constant 80000 : i32
    %mul3A_10 = arith.muli %add3A, %mul3A_9 : i32
    "tpu.region"() ({
      %run_scoped3A = tpu.sem_alloc : memref<!tpu.dma_semaphore, #tpu.memory_space<semaphore_mem>>
      %dma_start3A = arith.constant 0 : i32
      %dma_start3A_11 = tpu.memref_slice %arg7[%dma_start3A] : memref<80128xf32, #tpu.memory_space<vmem>> -> memref<80000xf32, #tpu.memory_space<vmem>>
      %dma_start3A_12 = tpu.memref_slice %arg4[%mul3A_10] : memref<2560000xf32, #tpu.memory_space<hbm>> -> memref<80000xf32, #tpu.memory_space<hbm>>
      %dma_start3A_13 = tpu.memref_slice %arg4[%mul3A_10] : memref<2560000xf32, #tpu.memory_space<hbm>> -> memref<80000xf32, #tpu.memory_space<hbm>>
      %dma_start3A_14 = arith.constant 0 : i32
      %dma_start3A_15 = tpu.memref_slice %arg7[%dma_start3A_14] : memref<80128xf32, #tpu.memory_space<vmem>> -> memref<80000xf32, #tpu.memory_space<vmem>>
      tpu.enqueue_dma source(%dma_start3A_15 : memref<80000xf32, #tpu.memory_space<vmem>>) target(%dma_start3A_13 : memref<80000xf32, #tpu.memory_space<hbm>>) target_semaphore(%run_scoped3A : memref<!tpu.dma_semaphore, #tpu.memory_space<semaphore_mem>>)
      %dma_wait3A = arith.constant 0 : i32
      %dma_wait3A_16 = tpu.memref_slice %arg7[%dma_wait3A] : memref<80128xf32, #tpu.memory_space<vmem>> -> memref<80000xf32, #tpu.memory_space<vmem>>
      %dma_wait3A_17 = tpu.memref_slice %arg4[%mul3A_10] : memref<2560000xf32, #tpu.memory_space<hbm>> -> memref<80000xf32, #tpu.memory_space<hbm>>
      %dma_wait3A_18 = tpu.memref_slice %arg4[%mul3A_10] : memref<2560000xf32, #tpu.memory_space<hbm>> -> memref<80000xf32, #tpu.memory_space<hbm>>
      %dma_wait3A_19 = arith.constant 0 : i32
      %dma_wait3A_20 = tpu.memref_slice %arg7[%dma_wait3A_19] : memref<80128xf32, #tpu.memory_space<vmem>> -> memref<80000xf32, #tpu.memory_space<vmem>>
      tpu.wait_dma2 semaphore(%run_scoped3A : memref<!tpu.dma_semaphore, #tpu.memory_space<semaphore_mem>>) src(%dma_wait3A_20 : memref<80000xf32, #tpu.memory_space<vmem>>) dst(%dma_wait3A_18 : memref<80000xf32, #tpu.memory_space<hbm>>)
      tpu.yield
    }) : () -> ()
    return
  }
}

module attributes {stable_mosaic.version = 14 : i64} {
  func.func @_tc_body(%arg0: i32, %arg1: memref<1000x128xf32, #tpu.memory_space<vmem>>, %arg2: memref<1000x128xf32, #tpu.memory_space<vmem>>, %arg3: memref<8x128x128xbf16, #tpu.memory_space<vmem>>, %arg4: memref<8x128x128xbf16, #tpu.memory_space<vmem>>, %arg5: memref<1000x128xf32, #tpu.memory_space<vmem>>) attributes {dimension_semantics = [#tpu.dimension_semantics<arbitrary>], iteration_bounds = array<i64: 20>, scalar_prefetch = 0 : i64, scratch_operands = 0 : i64, tpu.core_type = #tpu.core_type<tc>, window_params = [{transform_indices = @transform_0, window_bounds = array<i64: 1000, 128>}, {transform_indices = @transform_1, window_bounds = array<i64: 1000, 128>}, {pipeline_mode = #tpu.pipeline_mode<synchronous>, transform_indices = @transform_2, window_bounds = array<i64: 8, 128, 128>}, {pipeline_mode = #tpu.pipeline_mode<synchronous>, transform_indices = @transform_3, window_bounds = array<i64: 8, 128, 128>}, {transform_indices = @transform_4, window_bounds = array<i64: 1000, 128>}]} {
    %get3A = arith.constant 0 : index
    %get3A_0 = arith.constant 0 : index
    %get3A_1 = vector.load %arg1[%get3A, %get3A_0] : memref<1000x128xf32, #tpu.memory_space<vmem>>, vector<1000x128xf32>
    %convert_element_type3A = arith.truncf %get3A_1 : vector<1000x128xf32> to vector<1000x128xbf16>
    %iota3A = tpu.iota {dimensions = array<i32: 1>} : vector<1000x128xi32>
    %jit3A = arith.constant 16 : i32
    %eq3A = arith.constant 0 : i32
    %eq3A_2 = arith.cmpi eq, %jit3A, %eq3A : i32
    %jit3A_3 = arith.constant 1 : i32
    %select_n3A = arith.select %eq3A_2, %jit3A_3, %jit3A : i32
    %rem3A = vector.broadcast %select_n3A : i32 to vector<1000x128xi32>
    %rem3A_4 = arith.remsi %iota3A, %rem3A : vector<1000x128xi32>
    %ne3A = arith.constant 0 : i32
    %ne3A_5 = vector.broadcast %ne3A : i32 to vector<1000x128xi32>
    %ne3A_6 = arith.cmpi ne, %rem3A_4, %ne3A_5 : vector<1000x128xi32>
    %lt3A = arith.constant 0 : i32
    %lt3A_7 = vector.broadcast %lt3A : i32 to vector<1000x128xi32>
    %lt3A_8 = arith.cmpi slt, %rem3A_4, %lt3A_7 : vector<1000x128xi32>
    %lt3A_9 = arith.constant 0 : i32
    %lt3A_10 = arith.cmpi slt, %select_n3A, %lt3A_9 : i32
    %ne3A_11 = vector.broadcast %lt3A_10 : i1 to vector<1000x128xi1>
    %ne3A_12 = vector.broadcast %ne3A_11 : vector<1000x128xi1> to vector<1000x128xi1>
    %ne3A_13 = arith.xori %lt3A_8, %ne3A_12 : vector<1000x128xi1>
    %and3A = arith.andi %ne3A_13, %ne3A_6 : vector<1000x128xi1>
    %add3A = vector.broadcast %select_n3A : i32 to vector<1000x128xi32>
    %add3A_14 = arith.addi %rem3A_4, %add3A : vector<1000x128xi32>
    %select_n3A_15 = arith.select %and3A, %add3A_14, %rem3A_4 : vector<1000x128xi1>, vector<1000x128xi32>
    %lt3A_16 = arith.constant 8 : i32
    %lt3A_17 = vector.broadcast %lt3A_16 : i32 to vector<1000x128xi32>
    %lt3A_18 = arith.cmpi slt, %select_n3A_15, %lt3A_17 : vector<1000x128xi32>
    %get3A_19 = arith.constant 0 : index
    %get3A_20 = arith.constant 0 : index
    %get3A_21 = vector.load %arg2[%get3A_19, %get3A_20] : memref<1000x128xf32, #tpu.memory_space<vmem>>, vector<1000x128xf32>
    %jit3A_22 = arith.constant 0.000000e+00 : f32
    %broadcast_in_dim3A = vector.broadcast %jit3A_22 : f32 to vector<1000x128xf32>
    %select_n3A_23 = arith.select %lt3A_18, %get3A_21, %broadcast_in_dim3A : vector<1000x128xi1>, vector<1000x128xf32>
    %convert_element_type3A_24 = arith.truncf %select_n3A_23 : vector<1000x128xf32> to vector<1000x128xbf16>
    %get3A_25 = arith.constant 0 : index
    %get3A_26 = arith.constant 0 : index
    %get3A_27 = arith.constant 0 : index
    %get3A_28 = vector.load %arg3[%get3A_25, %get3A_26, %get3A_27] : memref<8x128x128xbf16, #tpu.memory_space<vmem>>, vector<1x128x128xbf16>
    %get3A_29 = vector.shape_cast %get3A_28 : vector<1x128x128xbf16> to vector<128x128xbf16>
    %dot_general3A = arith.constant dense<0.000000e+00> : vector<1000x128xf32>
    %dot_general3A_30 = tpu.matmul %convert_element_type3A, %get3A_29, %dot_general3A {dimension_numbers = #tpu.dot_dimension_numbers<[1], [0], [0], [1], [0, 0, 1, 1], [], []>, transpose_lhs_hint = false} : vector<1000x128xbf16>, vector<128x128xbf16>, vector<1000x128xf32> -> vector<1000x128xf32>
    %get3A_31 = arith.constant 0 : index
    %get3A_32 = arith.constant 0 : index
    %get3A_33 = arith.constant 0 : index
    %get3A_34 = vector.load %arg4[%get3A_31, %get3A_32, %get3A_33] : memref<8x128x128xbf16, #tpu.memory_space<vmem>>, vector<1x128x128xbf16>
    %get3A_35 = vector.shape_cast %get3A_34 : vector<1x128x128xbf16> to vector<128x128xbf16>
    %dot_general3A_36 = arith.constant dense<0.000000e+00> : vector<1000x128xf32>
    %dot_general3A_37 = tpu.matmul %convert_element_type3A_24, %get3A_35, %dot_general3A_36 {dimension_numbers = #tpu.dot_dimension_numbers<[1], [0], [0], [1], [0, 0, 1, 1], [], []>, transpose_lhs_hint = false} : vector<1000x128xbf16>, vector<128x128xbf16>, vector<1000x128xf32> -> vector<1000x128xf32>
    %mul3A = arith.mulf %dot_general3A_30, %dot_general3A_37 : vector<1000x128xf32>
    %get3A_38 = arith.constant 1 : index
    %get3A_39 = arith.constant 0 : index
    %get3A_40 = arith.constant 0 : index
    %get3A_41 = vector.load %arg3[%get3A_38, %get3A_39, %get3A_40] : memref<8x128x128xbf16, #tpu.memory_space<vmem>>, vector<1x128x128xbf16>
    %get3A_42 = vector.shape_cast %get3A_41 : vector<1x128x128xbf16> to vector<128x128xbf16>
    %dot_general3A_43 = arith.constant dense<0.000000e+00> : vector<1000x128xf32>
    %dot_general3A_44 = tpu.matmul %convert_element_type3A, %get3A_42, %dot_general3A_43 {dimension_numbers = #tpu.dot_dimension_numbers<[1], [0], [0], [1], [0, 0, 1, 1], [], []>, transpose_lhs_hint = false} : vector<1000x128xbf16>, vector<128x128xbf16>, vector<1000x128xf32> -> vector<1000x128xf32>
    %get3A_45 = arith.constant 1 : index
    %get3A_46 = arith.constant 0 : index
    %get3A_47 = arith.constant 0 : index
    %get3A_48 = vector.load %arg4[%get3A_45, %get3A_46, %get3A_47] : memref<8x128x128xbf16, #tpu.memory_space<vmem>>, vector<1x128x128xbf16>
    %get3A_49 = vector.shape_cast %get3A_48 : vector<1x128x128xbf16> to vector<128x128xbf16>
    %dot_general3A_50 = arith.constant dense<0.000000e+00> : vector<1000x128xf32>
    %dot_general3A_51 = tpu.matmul %convert_element_type3A_24, %get3A_49, %dot_general3A_50 {dimension_numbers = #tpu.dot_dimension_numbers<[1], [0], [0], [1], [0, 0, 1, 1], [], []>, transpose_lhs_hint = false} : vector<1000x128xbf16>, vector<128x128xbf16>, vector<1000x128xf32> -> vector<1000x128xf32>
    %mul3A_52 = arith.mulf %dot_general3A_44, %dot_general3A_51 : vector<1000x128xf32>
    %add3A_53 = arith.addf %mul3A, %mul3A_52 : vector<1000x128xf32>
    %get3A_54 = arith.constant 2 : index
    %get3A_55 = arith.constant 0 : index
    %get3A_56 = arith.constant 0 : index
    %get3A_57 = vector.load %arg3[%get3A_54, %get3A_55, %get3A_56] : memref<8x128x128xbf16, #tpu.memory_space<vmem>>, vector<1x128x128xbf16>
    %get3A_58 = vector.shape_cast %get3A_57 : vector<1x128x128xbf16> to vector<128x128xbf16>
    %dot_general3A_59 = arith.constant dense<0.000000e+00> : vector<1000x128xf32>
    %dot_general3A_60 = tpu.matmul %convert_element_type3A, %get3A_58, %dot_general3A_59 {dimension_numbers = #tpu.dot_dimension_numbers<[1], [0], [0], [1], [0, 0, 1, 1], [], []>, transpose_lhs_hint = false} : vector<1000x128xbf16>, vector<128x128xbf16>, vector<1000x128xf32> -> vector<1000x128xf32>
    %get3A_61 = arith.constant 2 : index
    %get3A_62 = arith.constant 0 : index
    %get3A_63 = arith.constant 0 : index
    %get3A_64 = vector.load %arg4[%get3A_61, %get3A_62, %get3A_63] : memref<8x128x128xbf16, #tpu.memory_space<vmem>>, vector<1x128x128xbf16>
    %get3A_65 = vector.shape_cast %get3A_64 : vector<1x128x128xbf16> to vector<128x128xbf16>
    %dot_general3A_66 = arith.constant dense<0.000000e+00> : vector<1000x128xf32>
    %dot_general3A_67 = tpu.matmul %convert_element_type3A_24, %get3A_65, %dot_general3A_66 {dimension_numbers = #tpu.dot_dimension_numbers<[1], [0], [0], [1], [0, 0, 1, 1], [], []>, transpose_lhs_hint = false} : vector<1000x128xbf16>, vector<128x128xbf16>, vector<1000x128xf32> -> vector<1000x128xf32>
    %mul3A_68 = arith.mulf %dot_general3A_60, %dot_general3A_67 : vector<1000x128xf32>
    %add3A_69 = arith.addf %add3A_53, %mul3A_68 : vector<1000x128xf32>
    %get3A_70 = arith.constant 3 : index
    %get3A_71 = arith.constant 0 : index
    %get3A_72 = arith.constant 0 : index
    %get3A_73 = vector.load %arg3[%get3A_70, %get3A_71, %get3A_72] : memref<8x128x128xbf16, #tpu.memory_space<vmem>>, vector<1x128x128xbf16>
    %get3A_74 = vector.shape_cast %get3A_73 : vector<1x128x128xbf16> to vector<128x128xbf16>
    %dot_general3A_75 = arith.constant dense<0.000000e+00> : vector<1000x128xf32>
    %dot_general3A_76 = tpu.matmul %convert_element_type3A, %get3A_74, %dot_general3A_75 {dimension_numbers = #tpu.dot_dimension_numbers<[1], [0], [0], [1], [0, 0, 1, 1], [], []>, transpose_lhs_hint = false} : vector<1000x128xbf16>, vector<128x128xbf16>, vector<1000x128xf32> -> vector<1000x128xf32>
    %get3A_77 = arith.constant 3 : index
    %get3A_78 = arith.constant 0 : index
    %get3A_79 = arith.constant 0 : index
    %get3A_80 = vector.load %arg4[%get3A_77, %get3A_78, %get3A_79] : memref<8x128x128xbf16, #tpu.memory_space<vmem>>, vector<1x128x128xbf16>
    %get3A_81 = vector.shape_cast %get3A_80 : vector<1x128x128xbf16> to vector<128x128xbf16>
    %dot_general3A_82 = arith.constant dense<0.000000e+00> : vector<1000x128xf32>
    %dot_general3A_83 = tpu.matmul %convert_element_type3A_24, %get3A_81, %dot_general3A_82 {dimension_numbers = #tpu.dot_dimension_numbers<[1], [0], [0], [1], [0, 0, 1, 1], [], []>, transpose_lhs_hint = false} : vector<1000x128xbf16>, vector<128x128xbf16>, vector<1000x128xf32> -> vector<1000x128xf32>
    %mul3A_84 = arith.mulf %dot_general3A_76, %dot_general3A_83 : vector<1000x128xf32>
    %add3A_85 = arith.addf %add3A_69, %mul3A_84 : vector<1000x128xf32>
    %get3A_86 = arith.constant 4 : index
    %get3A_87 = arith.constant 0 : index
    %get3A_88 = arith.constant 0 : index
    %get3A_89 = vector.load %arg3[%get3A_86, %get3A_87, %get3A_88] : memref<8x128x128xbf16, #tpu.memory_space<vmem>>, vector<1x128x128xbf16>
    %get3A_90 = vector.shape_cast %get3A_89 : vector<1x128x128xbf16> to vector<128x128xbf16>
    %dot_general3A_91 = arith.constant dense<0.000000e+00> : vector<1000x128xf32>
    %dot_general3A_92 = tpu.matmul %convert_element_type3A, %get3A_90, %dot_general3A_91 {dimension_numbers = #tpu.dot_dimension_numbers<[1], [0], [0], [1], [0, 0, 1, 1], [], []>, transpose_lhs_hint = false} : vector<1000x128xbf16>, vector<128x128xbf16>, vector<1000x128xf32> -> vector<1000x128xf32>
    %get3A_93 = arith.constant 4 : index
    %get3A_94 = arith.constant 0 : index
    %get3A_95 = arith.constant 0 : index
    %get3A_96 = vector.load %arg4[%get3A_93, %get3A_94, %get3A_95] : memref<8x128x128xbf16, #tpu.memory_space<vmem>>, vector<1x128x128xbf16>
    %get3A_97 = vector.shape_cast %get3A_96 : vector<1x128x128xbf16> to vector<128x128xbf16>
    %dot_general3A_98 = arith.constant dense<0.000000e+00> : vector<1000x128xf32>
    %dot_general3A_99 = tpu.matmul %convert_element_type3A_24, %get3A_97, %dot_general3A_98 {dimension_numbers = #tpu.dot_dimension_numbers<[1], [0], [0], [1], [0, 0, 1, 1], [], []>, transpose_lhs_hint = false} : vector<1000x128xbf16>, vector<128x128xbf16>, vector<1000x128xf32> -> vector<1000x128xf32>
    %mul3A_100 = arith.mulf %dot_general3A_92, %dot_general3A_99 : vector<1000x128xf32>
    %add3A_101 = arith.addf %add3A_85, %mul3A_100 : vector<1000x128xf32>
    %get3A_102 = arith.constant 5 : index
    %get3A_103 = arith.constant 0 : index
    %get3A_104 = arith.constant 0 : index
    %get3A_105 = vector.load %arg3[%get3A_102, %get3A_103, %get3A_104] : memref<8x128x128xbf16, #tpu.memory_space<vmem>>, vector<1x128x128xbf16>
    %get3A_106 = vector.shape_cast %get3A_105 : vector<1x128x128xbf16> to vector<128x128xbf16>
    %dot_general3A_107 = arith.constant dense<0.000000e+00> : vector<1000x128xf32>
    %dot_general3A_108 = tpu.matmul %convert_element_type3A, %get3A_106, %dot_general3A_107 {dimension_numbers = #tpu.dot_dimension_numbers<[1], [0], [0], [1], [0, 0, 1, 1], [], []>, transpose_lhs_hint = false} : vector<1000x128xbf16>, vector<128x128xbf16>, vector<1000x128xf32> -> vector<1000x128xf32>
    %get3A_109 = arith.constant 5 : index
    %get3A_110 = arith.constant 0 : index
    %get3A_111 = arith.constant 0 : index
    %get3A_112 = vector.load %arg4[%get3A_109, %get3A_110, %get3A_111] : memref<8x128x128xbf16, #tpu.memory_space<vmem>>, vector<1x128x128xbf16>
    %get3A_113 = vector.shape_cast %get3A_112 : vector<1x128x128xbf16> to vector<128x128xbf16>
    %dot_general3A_114 = arith.constant dense<0.000000e+00> : vector<1000x128xf32>
    %dot_general3A_115 = tpu.matmul %convert_element_type3A_24, %get3A_113, %dot_general3A_114 {dimension_numbers = #tpu.dot_dimension_numbers<[1], [0], [0], [1], [0, 0, 1, 1], [], []>, transpose_lhs_hint = false} : vector<1000x128xbf16>, vector<128x128xbf16>, vector<1000x128xf32> -> vector<1000x128xf32>
    %mul3A_116 = arith.mulf %dot_general3A_108, %dot_general3A_115 : vector<1000x128xf32>
    %add3A_117 = arith.addf %add3A_101, %mul3A_116 : vector<1000x128xf32>
    %get3A_118 = arith.constant 6 : index
    %get3A_119 = arith.constant 0 : index
    %get3A_120 = arith.constant 0 : index
    %get3A_121 = vector.load %arg3[%get3A_118, %get3A_119, %get3A_120] : memref<8x128x128xbf16, #tpu.memory_space<vmem>>, vector<1x128x128xbf16>
    %get3A_122 = vector.shape_cast %get3A_121 : vector<1x128x128xbf16> to vector<128x128xbf16>
    %dot_general3A_123 = arith.constant dense<0.000000e+00> : vector<1000x128xf32>
    %dot_general3A_124 = tpu.matmul %convert_element_type3A, %get3A_122, %dot_general3A_123 {dimension_numbers = #tpu.dot_dimension_numbers<[1], [0], [0], [1], [0, 0, 1, 1], [], []>, transpose_lhs_hint = false} : vector<1000x128xbf16>, vector<128x128xbf16>, vector<1000x128xf32> -> vector<1000x128xf32>
    %get3A_125 = arith.constant 6 : index
    %get3A_126 = arith.constant 0 : index
    %get3A_127 = arith.constant 0 : index
    %get3A_128 = vector.load %arg4[%get3A_125, %get3A_126, %get3A_127] : memref<8x128x128xbf16, #tpu.memory_space<vmem>>, vector<1x128x128xbf16>
    %get3A_129 = vector.shape_cast %get3A_128 : vector<1x128x128xbf16> to vector<128x128xbf16>
    %dot_general3A_130 = arith.constant dense<0.000000e+00> : vector<1000x128xf32>
    %dot_general3A_131 = tpu.matmul %convert_element_type3A_24, %get3A_129, %dot_general3A_130 {dimension_numbers = #tpu.dot_dimension_numbers<[1], [0], [0], [1], [0, 0, 1, 1], [], []>, transpose_lhs_hint = false} : vector<1000x128xbf16>, vector<128x128xbf16>, vector<1000x128xf32> -> vector<1000x128xf32>
    %mul3A_132 = arith.mulf %dot_general3A_124, %dot_general3A_131 : vector<1000x128xf32>
    %add3A_133 = arith.addf %add3A_117, %mul3A_132 : vector<1000x128xf32>
    %get3A_134 = arith.constant 7 : index
    %get3A_135 = arith.constant 0 : index
    %get3A_136 = arith.constant 0 : index
    %get3A_137 = vector.load %arg3[%get3A_134, %get3A_135, %get3A_136] : memref<8x128x128xbf16, #tpu.memory_space<vmem>>, vector<1x128x128xbf16>
    %get3A_138 = vector.shape_cast %get3A_137 : vector<1x128x128xbf16> to vector<128x128xbf16>
    %dot_general3A_139 = arith.constant dense<0.000000e+00> : vector<1000x128xf32>
    %dot_general3A_140 = tpu.matmul %convert_element_type3A, %get3A_138, %dot_general3A_139 {dimension_numbers = #tpu.dot_dimension_numbers<[1], [0], [0], [1], [0, 0, 1, 1], [], []>, transpose_lhs_hint = false} : vector<1000x128xbf16>, vector<128x128xbf16>, vector<1000x128xf32> -> vector<1000x128xf32>
    %get3A_141 = arith.constant 7 : index
    %get3A_142 = arith.constant 0 : index
    %get3A_143 = arith.constant 0 : index
    %get3A_144 = vector.load %arg4[%get3A_141, %get3A_142, %get3A_143] : memref<8x128x128xbf16, #tpu.memory_space<vmem>>, vector<1x128x128xbf16>
    %get3A_145 = vector.shape_cast %get3A_144 : vector<1x128x128xbf16> to vector<128x128xbf16>
    %dot_general3A_146 = arith.constant dense<0.000000e+00> : vector<1000x128xf32>
    %dot_general3A_147 = tpu.matmul %convert_element_type3A_24, %get3A_145, %dot_general3A_146 {dimension_numbers = #tpu.dot_dimension_numbers<[1], [0], [0], [1], [0, 0, 1, 1], [], []>, transpose_lhs_hint = false} : vector<1000x128xbf16>, vector<128x128xbf16>, vector<1000x128xf32> -> vector<1000x128xf32>
    %mul3A_148 = arith.mulf %dot_general3A_140, %dot_general3A_147 : vector<1000x128xf32>
    %add3A_149 = arith.addf %add3A_133, %mul3A_148 : vector<1000x128xf32>
    %swap3A = arith.constant 0 : index
    %swap3A_150 = arith.constant 0 : index
    %swap3A_151 = vector.load %arg5[%swap3A, %swap3A_150] : memref<1000x128xf32, #tpu.memory_space<vmem>>, vector<1000x128xf32>
    tpu.vector_store %arg5[%swap3A, %swap3A_150], %add3A_149 {strides = array<i32>} : memref<1000x128xf32, #tpu.memory_space<vmem>>, vector<1000x128xf32>,
    return
  }
  func.func @transform_0(%arg0: i32) -> (i32, i32) {
    %c0_i32 = arith.constant 0 : i32
    %c0_i32_0 = arith.constant 0 : i32
    return %arg0, %c0_i32 : i32, i32
  }
  func.func @transform_1(%arg0: i32) -> (i32, i32) {
    %c0_i32 = arith.constant 0 : i32
    %c0_i32_0 = arith.constant 0 : i32
    return %arg0, %c0_i32 : i32, i32
  }
  func.func @transform_2(%arg0: i32) -> (i32, i32, i32) {
    %c0_i32 = arith.constant 0 : i32
    %c0_i32_0 = arith.constant 0 : i32
    %c0_i32_1 = arith.constant 0 : i32
    %c0_i32_2 = arith.constant 0 : i32
    return %c0_i32, %c0_i32_0, %c0_i32_1 : i32, i32, i32
  }
  func.func @transform_3(%arg0: i32) -> (i32, i32, i32) {
    %c0_i32 = arith.constant 0 : i32
    %c0_i32_0 = arith.constant 0 : i32
    %c0_i32_1 = arith.constant 0 : i32
    %c0_i32_2 = arith.constant 0 : i32
    return %c0_i32, %c0_i32_0, %c0_i32_1 : i32, i32, i32
  }
  func.func @transform_4(%arg0: i32) -> (i32, i32) {
    %c0_i32 = arith.constant 0 : i32
    %c0_i32_0 = arith.constant 0 : i32
    return %arg0, %c0_i32 : i32, i32
  }
}

</mosaic_0001>

<sc_bundles>
// kernel: _run.4.cloned.1.call-start
scs
__scs_entry_jumppad:
0x0: {  	(pc) =	sbr.rel $0x88, $3  }
0x1: {  	(tag) =	ssettag $0x0;
	lr =	simm.s32 $0x1  }
0x2: {  	[smem:$0x3F9C] =	sst lr;
	_ =	strace $0xD0000000  }
0x3: {  	_ = 	snop  }
0x4: {  	_ = 	snop  }
0x5: {  	_ = 	snop  }
0x6: {  	_ = 	snop  }
0x7: {  	_ = 	snop  }
__scs_overlays_trampoline_lowered:
0x8: {  	[smem:$0x3FAB] =	sst s0  }
0x9: {  	[smem:$0x3FAC] =	sst s1  }
0xa: {  	[smem:$0x3FAD] =	sst s2  }
0xb: {  	[smem:$0x3FAE] =	sst s3  }
0xc: {  	[smem:$0x3FAF] =	sst s4  }
0xd: {  	[smem:$0x3FB0] =	sst s5  }
0xe: {  	[smem:$0x3FB1] =	sst s6  }
0xf: {  	[smem:$0x3FB2] =	sst s7  }
0x10: {  	[smem:$0x3FB3] =	sst s8  }
0x11: {  	[smem:$0x3FB4] =	sst s9;
	s0 =	simm.s32 @!p0 $0x0  }
0x12: {  	s1 =	sld [smem:$0x3F9A];
	s0 =	simm.s32 @p0 $0x1  }
0x13: {  	[smem:$0x3FB5] =	sst s0;
	s0 =	simm.s32 @!p1 $0x0  }
0x14: {  	s2 =	sld [smem:$0x3F99];
	s0 =	simm.s32 @p1 $0x1  }
0x15: {  	[smem:$0x3FB6] =	sst s0;
	s0 =	simm.s32 @!p2 $0x0  }
0x16: {  	s3 =	sld [smem:$0x3FDB];
	s0 =	simm.s32 @p2 $0x1  }
0x17: {  	s4 =	simm.s32 $0x1BF5;
	[smem:$0x3FB8] =	sst s0  }
0x18: {  	s0 =	sld [smem:$0x3F9B];
	_ =	swait.ge [sflag:s4], $0x0  }
0x19: {  	s7 =	sld [smem:$0x3F9C]  }
0x1a: {  	s8 =	sadd.s32 $0xFFFFE003, lr  }
0x1b: {  	s9 =	sadd.s32 $0xFFFFFEF7, lr;
	s5 =	simm.s32 $0xFFFFFFFF;
	p2 =	slt.u32 s8, $0xFFFFF086  }
0x1c: {  	p1 =	slt.u32 s9, $0xF7A;
	s5 =	simm.s32 @!p2 $0x0  }
0x1d: {  	s5 =	simm.s32 @p1 $0x1;
	p0 =	seq.s32 s7, s2  }
0x1e: {  	s7 =	smul.u32 @!p0 $0xF7A, s2;
	p2 =	seq.s32 @!p0 s5, $0x0  }
0x1f: {  	s9 =	smul.u32 $0xF7A, s1;
	s8 =	simm.s32 @!p0 $0x1BF5;
	p2 =	por !p2, p0  }
0x20: {  	[sflag:s8] =	ssyncset.s32 @!p0 $0xFFFFF086;
	s6 =	sadd.s32 @!p0 s3, s7;
	s7 =	simm.s32 @!p0 $0x108  }
0x21: {  	s3 =	sadd.s32 s3, s9;
	s6 =	sadd.s32 @!p0 $0x88, s6;
	s7 =	simm.s32 @p2 $0x1082  }
0x22: {  	[simem:s7], [sflag:s8] =	dma.local @!p0 [hbm:s6], $0xF7A  }
0x23: {  	s9 =	sor.u32 $0xD0000000, s2;
	s6 =	simm.s32 $0x108;
	_ =	swait.ge @!p0 [sflag:s8], $0x0  }
0x24: {  	s3 =	sadd.s32 $0x88, s3;
	s6 =	simm.s32 @!p1 $0x1082;
	[sflag:s4] =	ssyncset.s32 $0xFFFFF086  }
0x25: {  	[simem:s6], [sflag:s4] =	dma.local [hbm:s3], $0xF7A  }
0x26: {  	[smem:$0x3F9C] =	sst s1;
	(tag) =	ssettag s2;
	_ =	strace s9  }
0x27: {  	s1 =	sld [smem:$0x3FAC]  }
0x28: {  	s2 =	sld [smem:$0x3FAD]  }
0x29: {  	s4 =	sld [smem:$0x3FAF]  }
0x2a: {  	p0 =	seq.s32 s5, $0x0;
	s5 =	sld [smem:$0x3FB0]  }
0x2b: {  	s6 =	sld [smem:$0x3FB1]  }
0x2c: {  	s7 =	sld [smem:$0x3FB2]  }
0x2d: {  	s3 =	simm.s32 $0x108;
	s8 =	sld [smem:$0x3FB3]  }
0x2e: {  	s3 =	simm.s32 @!p0 $0x1082;
	s9 =	sld [smem:$0x3FB4]  }
0x2f: {  	lr =	sadd.s32 s0, s3;
	s0 =	sld [smem:$0x3FAB]  }
0x30: {  	s3 =	sld [smem:$0x3FAE]  }
0x31: {  	[smem:$0x3FB7] =	sst s10  }
0x32: {  	s10 =	sld [smem:$0x3FB5];
	_ =	sdelay $0x3  }
0x33: {  	p0 =	seq.s32 s10, $0x1;
	s10 =	sld [smem:$0x3FB7];
	_ =	sdelay $0x3  }
0x34: {  	[smem:$0x3FB7] =	sst s10  }
0x35: {  	s10 =	sld [smem:$0x3FB6];
	_ =	sdelay $0x3  }
0x36: {  	p1 =	seq.s32 s10, $0x1;
	s10 =	sld [smem:$0x3FB7];
	_ =	sdelay $0x3  }
0x37: {  	[smem:$0x3FB7] =	sst s10  }
0x38: {  	s10 =	sld [smem:$0x3FB8]  }
0x39: {  	_ = 	snop;
	(pc) =	sbr.ind lr, $3  }
0x3a: {  	_ = 	snop  }
0x3b: {  	_ = 	snop  }
0x3c: {  	p2 =	seq.s32 s10, $0x1;
	s10 =	sld [smem:$0x3FB7]  }
0x3d: {  	_ =	shalt  }
0x3e: {  	_ =	shalt  }
0x3f: {  	_ =	shalt  }
0x40: {  	_ =	shalt  }
0x41: {  	_ =	shalt  }
0x42: {  	_ =	shalt  }
0x43: {  	_ =	shalt  }
0x44: {  	_ =	shalt  }
0x45: {  	_ =	shalt  }
0x46: {  	_ =	shalt  }
0x47: {  	_ =	shalt  }
0x48: {  	_ =	shalt  }
0x49: {  	_ =	shalt  }
0x4a: {  	_ =	shalt  }
0x4b: {  	_ =	shalt  }
0x4c: {  	_ =	shalt  }
0x4d: {  	_ =	shalt  }
0x4e: {  	_ =	shalt  }
0x4f: {  	_ =	shalt  }
0x50: {  	_ =	shalt  }
0x51: {  	_ =	shalt  }
0x52: {  	_ =	shalt  }
0x53: {  	_ =	shalt  }
0x54: {  	_ =	shalt  }
0x55: {  	_ =	shalt  }
0x56: {  	_ =	shalt  }
0x57: {  	_ =	shalt  }
0x58: {  	_ =	shalt  }
0x59: {  	_ =	shalt  }
0x5a: {  	_ =	shalt  }
0x5b: {  	_ =	shalt  }
0x5c: {  	_ =	shalt  }
0x5d: {  	_ =	shalt  }
0x5e: {  	_ =	shalt  }
0x5f: {  	_ =	shalt  }
0x60: {  	_ =	shalt  }
0x61: {  	_ =	shalt  }
0x62: {  	_ =	shalt  }
0x63: {  	_ =	shalt  }
0x64: {  	_ =	shalt  }
0x65: {  	_ =	shalt  }
0x66: {  	_ =	shalt  }
0x67: {  	_ =	shalt  }
0x68: {  	_ =	shalt  }
0x69: {  	_ =	shalt  }
0x6a: {  	_ =	shalt  }
0x6b: {  	_ =	shalt  }
0x6c: {  	_ =	shalt  }
0x6d: {  	_ =	shalt  }
0x6e: {  	_ =	shalt  }
0x6f: {  	_ =	shalt  }
0x70: {  	_ =	shalt  }
0x71: {  	_ =	shalt  }
0x72: {  	_ =	shalt  }
0x73: {  	_ =	shalt  }
0x74: {  	_ =	shalt  }
0x75: {  	_ =	shalt  }
0x76: {  	_ =	shalt  }
0x77: {  	_ =	shalt  }
0x78: {  	_ =	shalt  }
0x79: {  	_ =	shalt  }
0x7a: {  	_ =	shalt  }
0x7b: {  	_ =	shalt  }
0x7c: {  	_ =	shalt  }
0x7d: {  	_ =	shalt  }
0x7e: {  	_ =	shalt  }
0x7f: {  	_ =	shalt  }
0x80: {  	_ =	shalt  }
0x81: {  	_ =	shalt  }
0x82: {  	_ =	shalt  }
0x83: {  	_ =	shalt  }
0x84: {  	_ =	shalt  }
0x85: {  	_ =	shalt  }
0x86: {  	_ =	shalt  }
0x87: {  	_ =	shalt  }
.Lfunc_end0:
.L_simem_size_0:
called_computation_lowered:
.L_overlay_start_0:
0x88: {  	s2 =	sld [smem:$0x3FD9]  }
0x89: {  	s3 =	sld [smem:$0x3FFE];
	_ =	sdelay $0x1  }
0x8a: {  	s1 =	srdreg.scid  }
0x8b: {  	s0 =	sand.u32 $0x1, s1  }
0x8c: {  	s18 =	sshll.u32 s0, $0xA;
	s2 =	sadd.s32 s3, s2  }
0x8d: {  	s2 =	sadd.s32 s2, s18  }
0x8e: {  	[smem:$0x3FC3] =	sst s2  }
0x8f: {  	_ = 	snop  }
0x90: {  	s2 =	sld [smem:$0x3FC8]  }
0x91: {  	s19 =	sld [smem:$0x3FC5]  }
0x92: {  	s4 =	sld [smem:$0x3FD0];
	(tm) =	ssettm $0x1  }
0x93: {  	s5 =	sld [smem:$0x3FFB];
	_ =	sdelay $0x3  }
0x94: {  	_ =	strace s5  }
0x95: {  	s5 =	sld [smem:$0x3FFC];
	_ =	sdelay $0x3  }
0x96: {  	_ =	strace s5  }
0x97: {  	s5 =	sld [smem:$0x3FFD];
	_ =	sdelay $0x3  }
0x98: {  	_ =	strace s5  }
0x99: {  	_ =	strace $0x8FFFFFFF  }
0x9a: {  	s20 =	sld [smem:$0x3FDB];
	_ =	sdelay $0x1  }
0x9b: {  	s6 =	simm.s32 $_scs_section_size  }
0x9c: {  	s7 =	simm.s32 $_size__tile_overlayer_lowered;
	s8 =	simm.s32 $_tile_overlayer_lowered  }
0x9d: {  	s23 =	simm.s32 $0x1BFF;
	s22 =	sshll.u32 s8, $0x1;
	s5 =	sadd.s32 s6, s20  }
0x9e: {  	s9 =	simm.s32 $0x0;
	s21 =	sshll.u32 s7, $0x1;
	s7 =	sadd.s32 s22, s5  }
0x9f: {  	[timem:s9], [sflag:s23] =	dma.local [hbm:s7], s21  }
0xa0: {  	_ =	swait.ge [sflag:s23], s21  }
0xa1: {  	s6 =	ssub.s32 $0x0, s21;
	[sflag:s23] =	ssyncset.done $0x0  }
0xa2: {  	[sflag:s23] =	ssyncadd.s32 s6;
	_ =	sdelay $0x1  }
0xa3: {  	s24 =	simm.s32 $0x1B8B  }
0xa4: {  	_ =	swait.ge [sflag:s24], $0x1  }
0xa5: {  	[sflag:s24] =	ssyncset.done $0x0  }
0xa6: {  	s25 =	simm.s32 $0x1B8E;
	[sflag:s24] =	ssyncadd.s32 $0xFFFFFFFF  }
0xa7: {  	s26 =	simm.s32 $execute0_lowered;
	[smem:$0x3FD2] =	sst s25  }
0xa8: {  	s6 =	sshll.u32 s26, $0x1;
	_ =	strace $0x80000046;
	[dreg:$0x1] =	wrdreg $0xFFFFFFFF  }
0xa9: {  	s28 =	simm.s32 $_size_execute0_lowered;
	s5 =	sadd.s32 s5, s6;
	[dreg:$0x0] =	wrdreg $0x0  }
0xaa: {  	s6 =	sshll.u32 s28, $0x1;
	[dreg:$0x2] =	wrdreg s5  }
0xab: {  	[dreg:$0x3] =	wrdreg s6  }
0xac: {  	[dreg:$0x4] =	wrdreg $0xC0  }
0xad: {  	_ =	task [dreg:s9], $0x5FFFF  }
0xae: {  	[dreg:$0x1] =	wrdreg $0xFFFFFFFF  }
0xaf: {  	[dreg:$0x0] =	wrdreg $0x60  }
0xb0: {  	[dreg:$0x2] =	wrdreg s19  }
0xb1: {  	[dreg:$0x3] =	wrdreg s2  }
0xb2: {  	[dreg:$0x4] =	wrdreg s4  }
0xb3: {  	[dreg:$0x5] =	wrdreg $0x9  }
0xb4: {  	_ =	task.clear_ibuf [dreg:s9], $0x6FFFF;
	_ =	strace $0x90000046  }
0xb5: {  	s29 =	simm.s32 $0x9;
	_ =	strace $0x80000048  }
0xb6: {  	_ =	swait.ge [sflag:s29], $0x1  }
0xb7: {  	[sflag:s29] =	ssyncadd.s32 $0xFFFFFFFF  }
0xb8: {  	_ =	strace $0x90000048  }
0xb9: {  	_ =	sfence  }
0xba: {  	s30 =	sld [smem:$0x0];
	_ =	sdelay $0x2  }
0xbb: {  	s31 =	sshll.u32 s1, $0xD;
	s1 =	sshrl.u32 s1, $0x2  }
0xbc: {  	s3 =	sand.u32 $0x4000, s31;
	s1 =	sadd.s32 s1, s30  }
0xbd: {  	s0 =	sor.u32 s3, s0;
	s1 =	sshll.u32 s1, $0x11  }
0xbe: {  	s0 =	sor.u32 s1, s0  }
0xbf: {  	s0 =	sadd.s32 $0x8F2B, s0  }
0xc0: {  	[sflag:s0] =	ssyncadd.remote.s32 $0x1  }
0xc1: {  	_ =	sfence.sel $0xFFFF  }
0xc2: {  	[dreg:$0x0] =	wrdreg $0xFFFFFFFF;
	(pc) =	sbr.abs _section_cstart, $3  }
0xc3: {  	[dreg:$0x1] =	wrdreg $0xFFFFFFFF  }
0xc4: {  	_ =	task.clear_ibuf [dreg:s9], $0x2FFFF;
	_ =	strace $0x9FFFFFFF  }
0xc5: {  	(tm) =	ssettm $0x7FFFFFFF  }
tec
execute0_lowered:
.L_overlay_start_1:
0x0: {  	(tag) =	ssettag $0x1  }
0x1: {  	s1 =	rddreg [dreg:$0x0]  }
0x2: {  	s2 =	srdreg.scid;
	s0 =	stileid.u32  }
0x3: {  	s4 =	rddreg [dreg:$0x1];
	s6 =	sand.u32 $0x1, s2;
	s3 =	sshll.u32 s0, $0x1  }
0x4: {  	s5 =	rddreg [dreg:$0x2];
	s10 =	simm.s32 $0x0;
	s7 =	sor.u32 s6, s3  }
0x5: {  	s3 =	simm.s32 $0x0;
	s6 =	ssub.s32 $0x2, s6;
	s8 =	smul.u32 $0x271, s7  }
0x6: {  	[smem:$0x7FF] =	sst s3;
	s9 =	sshrl.u32 s6, $0x1;
	s7 =	smul.u32 $0x2710, s7  }
0x7: {  	s2 =	rddreg [dreg:$0x3];
	_ =	strace $0x80000047;
	s6 =	ssub.s32 s6, s9  }
0x8: {  	v0 =	vlaneseq.u32;
	s9 =	simm.s32 $0x16B0;
	s4 =	sadd.s32 s4, s8;
	s5 =	sadd.s32 s5, s7  }
0x9: {  	v0 =	vmul.u32 $0x10, v0;
	s6 =	smax.u32 s6, $0x1;
	s7 =	simm.s32 $0x1390;
	s8 =	simm.s32 $0x1  }
.LBB2_1:
0xa: {  	[tilespmem:s7], [sflag:$0x1] =	stream.linear.gather [hbm4b:s1+s3], $0x320, $0x38;
	[tilespmem:$0x14FB0] =	vst v63  }
0xb: {  	_ =	swait.ge [sflag:s8], $0x320  }
0xc: {  	[sflag:s8] =	ssyncset.done $0x0  }
0xd: {  	[sflag:s8] =	ssyncadd.s32 $0xFFFFFCE0  }
0xe: {  	[tilespmem:s3], [sflag:$0x1] =	stream.linear.gather [hbm4b:s4+s3], $0x1388, $0x38;
	[tilespmem:$0x14FB0] =	vst v63  }
0xf: {  	_ =	swait.ge [sflag:s8], $0x1388  }
0x10: {  	[sflag:s8] =	ssyncset.done $0x0  }
0x11: {  	[sflag:s8] =	ssyncadd.s32 $0xFFFFEC78  }
0x12: {  	v1 =	vld [tilespmem:s3+$0x0];
	_ =	sdelay $0x4  }
0x13: {  	vm0 =	vgt.s32 v1, $0x0  }
0x14: {  	v1 =	vnsel vm0, $0x0, v1  }
0x15: {  	v1 =	vmin.u32 v1, $0x63  }
0x16: {  	v1 =	vshll.u32 v1, $0x3;
	_ =	sdelay $0x2  }
0x17: {  	v2 =	vmov s3  }
0x18: {  	v2 =	vshll.u32 v2, $0x4  }
0x19: {  	v2 =	vor.u32 v0, v2;
	v3 =	vld.idx.msk [tilespmem:v1+s7+$0x0], $0xffff  }
0x1a: {  	v4 =	vor.u32 $0x1, v1;
	_ =	sdelay $0x3  }
0x1b: {  	[tilespmem:v2+s9+$0x0] =	vst.idx.msk $0xffff, v3  }
0x1c: {  	v54 =	vor.u32 $0x1, v2;
	v3 =	vld.idx.msk [tilespmem:v4+s7+$0x0], $0xffff  }
0x1d: {  	v5 =	vor.u32 $0x2, v1;
	_ =	sdelay $0x3  }
0x1e: {  	[tilespmem:v54+s9+$0x0] =	vst.idx.msk $0xffff, v3  }
0x1f: {  	v55 =	vor.u32 $0x2, v2;
	v3 =	vld.idx.msk [tilespmem:v5+s7+$0x0], $0xffff  }
0x20: {  	v56 =	vor.u32 $0x3, v1;
	_ =	sdelay $0x3  }
0x21: {  	[tilespmem:v55+s9+$0x0] =	vst.idx.msk $0xffff, v3  }
0x22: {  	v57 =	vor.u32 $0x3, v2;
	v3 =	vld.idx.msk [tilespmem:v56+s7+$0x0], $0xffff  }
0x23: {  	v58 =	vor.u32 $0x4, v1;
	_ =	sdelay $0x3  }
0x24: {  	[tilespmem:v57+s9+$0x0] =	vst.idx.msk $0xffff, v3  }
0x25: {  	v59 =	vor.u32 $0x4, v2;
	v3 =	vld.idx.msk [tilespmem:v58+s7+$0x0], $0xffff  }
0x26: {  	v60 =	vor.u32 $0x5, v1;
	_ =	sdelay $0x3  }
0x27: {  	[tilespmem:v59+s9+$0x0] =	vst.idx.msk $0xffff, v3  }
0x28: {  	v61 =	vor.u32 $0x5, v2;
	v3 =	vld.idx.msk [tilespmem:v60+s7+$0x0], $0xffff  }
0x29: {  	v62 =	vor.u32 $0x6, v1;
	_ =	sdelay $0x3  }
0x2a: {  	[tilespmem:v61+s9+$0x0] =	vst.idx.msk $0xffff, v3  }
0x2b: {  	v63 =	vor.u32 $0x6, v2;
	v3 =	vld.idx.msk [tilespmem:v62+s7+$0x0], $0xffff  }
0x2c: {  	v1 =	vor.u32 $0x7, v1;
	_ =	sdelay $0x3  }
0x2d: {  	[tilespmem:v63+s9+$0x0] =	vst.idx.msk $0xffff, v3  }
0x2e: {  	s11 =	simm.s32 $0x10;
	s12 =	simm.s32 $0x0;
	v2 =	vor.u32 $0x7, v2;
	v1 =	vld.idx.msk [tilespmem:v1+s7+$0x0], $0xffff  }
.LBB2_2:
0x2f: {  	_ =	sdelay $0x2  }
0x30: {  	p0 =	sne.s32 s11, $0x1380  }
0x31: {  	s12 =	sadd.s32 $0x10, s12;
	s13 =	smov.u32 s11;
	s11 =	sadd.s32 $0x10, s11;
	[tilespmem:v2+s9+$0x0] =	vst.idx.msk $0xffff, v1  }
0x32: {  	v1 =	vld [tilespmem:s12+$0x0];
	_ =	sdelay $0x4  }
0x33: {  	vm0 =	vgt.s32 v1, $0x0  }
0x34: {  	v1 =	vnsel vm0, $0x0, v1  }
0x35: {  	v1 =	vmin.u32 v1, $0x63  }
0x36: {  	v1 =	vshll.u32 v1, $0x3;
	_ =	sdelay $0x3  }
0x37: {  	v2 =	vmov s13  }
0x38: {  	v2 =	vshll.u32 v2, $0x4;
	v3 =	vld.idx.msk [tilespmem:v1+s7+$0x0], $0xffff  }
0x39: {  	v2 =	vor.u32 v0, v2  }
0x3a: {  	v4 =	vor.u32 $0x1, v1;
	_ =	sdelay $0x3  }
0x3b: {  	[tilespmem:v2+s9+$0x0] =	vst.idx.msk $0xffff, v3  }
0x3c: {  	v3 =	vld.idx.msk [tilespmem:v4+s7+$0x0], $0xffff  }
0x3d: {  	v4 =	vor.u32 $0x1, v2  }
0x3e: {  	v5 =	vor.u32 $0x2, v1;
	_ =	sdelay $0x3  }
0x3f: {  	[tilespmem:v4+s9+$0x0] =	vst.idx.msk $0xffff, v3  }
0x40: {  	v3 =	vld.idx.msk [tilespmem:v5+s7+$0x0], $0xffff  }
0x41: {  	v4 =	vor.u32 $0x2, v2  }
0x42: {  	v5 =	vor.u32 $0x3, v1;
	_ =	sdelay $0x3  }
0x43: {  	[tilespmem:v4+s9+$0x0] =	vst.idx.msk $0xffff, v3  }
0x44: {  	v3 =	vld.idx.msk [tilespmem:v5+s7+$0x0], $0xffff  }
0x45: {  	v4 =	vor.u32 $0x3, v2  }
0x46: {  	v5 =	vor.u32 $0x4, v1;
	_ =	sdelay $0x3  }
0x47: {  	[tilespmem:v4+s9+$0x0] =	vst.idx.msk $0xffff, v3  }
0x48: {  	v3 =	vld.idx.msk [tilespmem:v5+s7+$0x0], $0xffff  }
0x49: {  	v4 =	vor.u32 $0x4, v2  }
0x4a: {  	v5 =	vor.u32 $0x5, v1;
	_ =	sdelay $0x3  }
0x4b: {  	[tilespmem:v4+s9+$0x0] =	vst.idx.msk $0xffff, v3  }
0x4c: {  	v3 =	vld.idx.msk [tilespmem:v5+s7+$0x0], $0xffff  }
0x4d: {  	v4 =	vor.u32 $0x5, v2  }
0x4e: {  	v5 =	vor.u32 $0x6, v1;
	_ =	sdelay $0x3  }
0x4f: {  	[tilespmem:v4+s9+$0x0] =	vst.idx.msk $0xffff, v3  }
0x50: {  	v3 =	vld.idx.msk [tilespmem:v5+s7+$0x0], $0xffff  }
0x51: {  	v4 =	vor.u32 $0x6, v2  }
0x52: {  	v1 =	vor.u32 $0x7, v1;
	_ =	sdelay $0x1  }
.Ltmp0:
0x53: {  	(pc) =	sbr.rel @p0 .LBB2_2-.Ltmp0, $4  }
0x54: {  	_ = 	snop  }
0x55: {  	[tilespmem:v4+s9+$0x0] =	vst.idx.msk $0xffff, v3  }
0x56: {  	v1 =	vld.idx.msk [tilespmem:v1+s7+$0x0], $0xffff  }
0x57: {  	v2 =	vor.u32 $0x7, v2  }
0x58: {  	_ =	sdelay $0x1  }
0x59: {  	s10 =	sadd.s32 $0x1, s10  }
0x5a: {  	p0 =	sne.s32 s10, s6  }
.Ltmp1:
0x5b: {  	[tilespmem:v2+s9+$0x0] =	vst.idx.msk $0xffff, v1;
	(pc) =	sbr.rel @p0 .LBB2_1-.Ltmp1, $4  }
0x5c: {  	[hbm4b:s5+s3] =	stream.linear.scatter [tilespmem:s9], [sflag:$0x1], $0x13880, $0x38;
	[tilespmem:$0x14FB0] =	vst v63  }
0x5d: {  	_ =	swait.ge [sflag:s8], $0x13880  }
0x5e: {  	[sflag:s8] =	ssyncset.done $0x0  }
0x5f: {  	[sflag:s8] =	ssyncadd.s32 $0xFFFEC780  }
0x60: {  	_ =	sfence.sel $0x180000  }
0x61: {  	[bflag:$0x0] =	sbarrier.arrive $0xFFFF  }
0x62: {  	p0 =	sne.s32 s0, $0x0;
	_ =	strace $0x90000047  }
0x63: {  	s0 =	sadd.s32 @!p0 $0x100000, s2;
	[bflag:$0x2] =	sbarrier.arrive $0xFFFF  }
0x64: {  	[sflag:s0] =	ssyncadd.tile.s32 @!p0 $0x1;
	_ =	shalt  }
.Lfunc_end2:
_tile_overlayer_lowered:
.L_overlay_start_2:
0x65: {  	(tag) =	ssettag $0x2  }
0x66: {  	s0 =	rddreg [dreg:$0x0];
	s2 =	stileid.u32  }
0x67: {  	s1 =	rddreg [dreg:$0x1];
	p0 =	sne.s32 s2, $0x0  }
0x68: {  	s3 =	rddreg [dreg:$0x2];
	[bflag:$0x3] =	sbarrier.arrive $0xFFFF;
	s2 =	simm.s32 @!p0 $0x1C01  }
0x69: {  	[timem:s3], [sflag:s2] =	dma.local @!p0 [hbm:s0], s1  }
0x6a: {  	s0 =	simm.s32 @!p0 $0x1  }
0x6b: {  	_ =	swait.ge @!p0 [sflag:s0], s1  }
0x6c: {  	s1 =	ssub.s32 @!p0 $0x0, s1;
	[sflag:s0] =	ssyncset.done @!p0 $0x0  }
0x6d: {  	[sflag:s0] =	ssyncadd.s32 @!p0 s1  }
0x6e: {  	[bflag:$0x3] =	sbarrier.arrive $0xFFFF  }
0x6f: {  	_ =	shalt  }

</sc_bundles>
